<compile_context>
chip_gen: v7x
topology: tpu7x:2x2x1
jax: 0.10.2.dev20260603
libtpu: 0.0.44.dev20260713+nightly
codegen_flags: <defaults>
</compile_context>

<pallas_src>
import functools

import jax
import jax.numpy as jnp
from jax import lax
from jax.experimental import pallas as pl
from jax.experimental.pallas import tpu as pltpu
from jax.experimental.pallas import tpu_sc as plsc

B, S, D, V = 1024, 200, 128, 100000

VBLK = 2048
NV = (V + VBLK - 1) // VBLK
NBC = B // 128

NC, NS = 2, 16
NW = NC * NS
CHUNKS = (B * S) // (NW * 128)
LANES = 128


def _pass1_body(x_ref, wot_ref, bo_ref, wg_ref, bg_ref, m_ref, l_ref, i_ref):
    v = pl.program_id(0)

    @pl.when(v == 0)
    def _init():
        xw = lax.dot_general(wg_ref[...], x_ref[...],
                             (((1,), (1,)), ((), ())),
                             preferred_element_type=jnp.float32)
        i_ref[...] = jax.nn.sigmoid(xw + bg_ref[0, 0])
        m_ref[...] = jnp.full((1, B), -1e30, jnp.float32)
        l_ref[...] = jnp.zeros((1, B), jnp.float32)

    x_bf = x_ref[...].astype(jnp.bfloat16)
    wot_bf = wot_ref[...].astype(jnp.bfloat16)
    scores = lax.dot_general(wot_bf, x_bf, (((1,), (1,)), ((), ())),
                             preferred_element_type=jnp.float32)
    scores = scores + jnp.transpose(bo_ref[...])
    row = v * VBLK + lax.broadcasted_iota(jnp.int32, (VBLK, 1), 0)
    scores = jnp.where(row < V, scores, -1e30)

    m_old = m_ref[...]
    m_new = jnp.maximum(m_old, jnp.max(scores, axis=0, keepdims=True))
    l_ref[...] = l_ref[...] * jnp.exp(m_old - m_new) + jnp.sum(
        jnp.exp(scores - m_new), axis=0, keepdims=True)
    m_ref[...] = m_new


def _pass2_body(x_ref, wot_ref, bo_ref, m_ref, sc_ref, out_ref):
    x_bf = x_ref[...].astype(jnp.bfloat16)
    wot_bf = wot_ref[...].astype(jnp.bfloat16)
    scores = lax.dot_general(wot_bf, x_bf, (((1,), (1,)), ((), ())),
                             preferred_element_type=jnp.float32)
    scores = scores + jnp.transpose(bo_ref[...])
    vals = jnp.exp(scores - m_ref[...]) * sc_ref[...]
    out_ref[:, 0, :, :] = vals.reshape(VBLK // 8, 8, 128)


def _sc_scatter_body(out_ref, idx_hbm, vals_hbm, idx_v, val_v, dat_v, sem_g, sem_s):
    c = lax.axis_index("c")
    s = lax.axis_index("s")
    w = s * NC + c

    def chunk(i, carry):
        pltpu.sync_copy(idx_hbm.at[w, i], idx_v)
        pltpu.sync_copy(vals_hbm.at[w, i], val_v)
        gidx = plsc.Indices(idx_v, ignored_value=-1)
        pltpu.async_copy(out_ref.at[gidx], dat_v, sem_g).wait()
        for j in range(LANES // 16):
            sl = pl.ds(j * 16, 16)
            dat_v[sl] = dat_v[sl] + val_v[sl]
        pltpu.async_copy(dat_v, out_ref.at[gidx], sem_s).wait()
        return carry

    lax.fori_loop(0, CHUNKS, chunk, 0)


_sc_scatter = pl.kernel(
    _sc_scatter_body,
    out_type=(),
    mesh=plsc.VectorSubcoreMesh(core_axis_name="c", subcore_axis_name="s"),
    scratch_types=[
        pltpu.VMEM((LANES,), jnp.int32),
        pltpu.VMEM((LANES,), jnp.float32),
        pltpu.VMEM((LANES,), jnp.float32),
        pltpu.SemaphoreType.DMA,
        pltpu.SemaphoreType.DMA,
    ],
)


@jax.jit
def kernel(x, alphas, ctx_map, Wg, bg, Wo, bo):
    wot = jnp.transpose(Wo)
    bo2d = bo.reshape(1, V)
    wgT = Wg.reshape(1, D)
    bg2d = bg.reshape(1, 1)

    grid1 = pl.GridSpec(
        grid=(NV,),
        in_specs=[
            pl.BlockSpec((B, D), lambda v: (0, 0)),
            pl.BlockSpec((VBLK, D), lambda v: (v, 0)),
            pl.BlockSpec((1, VBLK), lambda v: (0, v)),
            pl.BlockSpec((1, D), lambda v: (0, 0)),
            pl.BlockSpec((1, 1), lambda v: (0, 0)),
        ],
        out_specs=[
            pl.BlockSpec((1, B), lambda v: (0, 0)),
            pl.BlockSpec((1, B), lambda v: (0, 0)),
            pl.BlockSpec((1, B), lambda v: (0, 0)),
        ],
    )
    m, l, interp = pl.pallas_call(
        _pass1_body,
        grid_spec=grid1,
        out_shape=[
            jax.ShapeDtypeStruct((1, B), jnp.float32),
            jax.ShapeDtypeStruct((1, B), jnp.float32),
            jax.ShapeDtypeStruct((1, B), jnp.float32),
        ],
        compiler_params=pltpu.CompilerParams(
            dimension_semantics=("arbitrary",)),
    )(x, wot, bo2d, wgT, bg2d)

    scale = interp / l

    grid2 = pl.GridSpec(
        grid=(NV, NBC),
        in_specs=[
            pl.BlockSpec((128, D), lambda v, bc: (bc, 0)),
            pl.BlockSpec((VBLK, D), lambda v, bc: (v, 0)),
            pl.BlockSpec((1, VBLK), lambda v, bc: (0, v)),
            pl.BlockSpec((1, 128), lambda v, bc: (0, bc)),
            pl.BlockSpec((1, 128), lambda v, bc: (0, bc)),
        ],
        out_specs=pl.BlockSpec((VBLK // 8, 1, 8, 128), lambda v, bc: (v, bc, 0, 0)),
    )
    out_t = pl.pallas_call(
        _pass2_body,
        grid_spec=grid2,
        out_shape=jax.ShapeDtypeStruct((V // 8, NBC, 8, 128), jnp.float32),
        compiler_params=pltpu.CompilerParams(
            dimension_semantics=("arbitrary", "arbitrary")),
    )(x, wot, bo2d, m, scale)

    keys = (ctx_map * B + jnp.arange(B, dtype=jnp.int32)[:, None]).reshape(-1)
    pvals = ((1.0 - interp.reshape(B, 1)) * alphas).reshape(-1)
    sk, sv = lax.sort((keys, pvals), num_keys=1, is_stable=False)
    nxt = jnp.concatenate([sk[1:], jnp.full((1,), -2, jnp.int32)])
    v_of = sk >> 10
    b_of = sk & (B - 1)
    tiled = ((v_of >> 3) << 13) | ((b_of >> 7) << 10) | ((v_of & 7) << 7) | (b_of & 127)
    idx_lin = jnp.where(sk != nxt, tiled, -1)
    idx_packed = idx_lin.reshape(NW, CHUNKS, LANES)
    vals_packed = sv.reshape(NW, CHUNKS, LANES)

    out_ref = jax.new_ref(out_t.reshape(V * B))
    _sc_scatter(out_ref, idx_packed, vals_packed)
    final = out_ref[...].reshape(V // 8, NBC, 8, 128)
    return jnp.transpose(final, (1, 3, 0, 2)).reshape(B, V)

# --- scband reference (transcript-rebuilt; emitter-appended) ---
"""Pipeline reference for scband-pointer-generator-out-21019569946888 (READ-ONLY COPY).

The authoritative reference and input builder live on the scoring server;
editing this copy changes nothing except your own understanding.
"""

import jax, jax.numpy as jnp
import numpy as np

B, S, D, V = 1024, 200, 128, 100000


def setup_inputs(seed: int = 0) -> dict:
    key = jax.random.key(seed)
    ks = jax.random.split(key, 6)
    x = jax.random.normal(ks[0], (B, D), dtype=jnp.float32)
    alphas = jax.random.uniform(ks[1], (B, S), dtype=jnp.float32)
    ctx_map = jax.random.randint(ks[2], (B, S), 0, V, dtype=jnp.int32)
    Wg = jax.random.normal(ks[3], (D, 1), dtype=jnp.float32) * (1.0 / np.sqrt(D))
    bg = jnp.zeros((1,), dtype=jnp.float32)
    Wo = jax.random.normal(ks[4], (D, V), dtype=jnp.float32) * (1.0 / np.sqrt(D))
    bo = jnp.zeros((V,), dtype=jnp.float32)
    return {"x": x, "alphas": alphas, "ctx_map": ctx_map, "Wg": Wg, "bg": bg, "Wo": Wo, "bo": bo}


def reference(x, alphas, ctx_map, Wg, bg, Wo, bo):
    # gen_prob_comp: Linear(D,1) + Sigmoid -> interpolation probability
    interp = jax.nn.sigmoid(x @ Wg + bg)  # (B, 1)
    # base_out: Linear(D, V) producing scores, then softmax over vocab
    gen_scores = x @ Wo + bo  # (B, V)
    gen_probs = jax.nn.softmax(gen_scores, axis=-1)  # (B, V)
    # ptr_probs = zeros_like(gen_probs).scatter_(1, ctx_map, alphas)
    rows = jnp.arange(x.shape[0], dtype=jnp.int32)[:, None]  # (B, 1)
    ptr_probs = jnp.zeros_like(gen_probs).at[rows, ctx_map].set(alphas)
    out_probs = interp * gen_probs + (1.0 - interp) * ptr_probs
    return out_probs

if __name__ == "__main__":
    import jax
    _d = setup_inputs()
    print(jax.jit(kernel)(*tuple(_d.values())))

</pallas_src>

<mosaic_0001>
#map = affine_map<(d0, d1) -> (0)>
#map1 = affine_map<(d0, d1) -> (0, 0, 0)>
module attributes {stable_mosaic.version = 14 : i64} {
  func.func @new_body(%arg0: i32, %arg1: i32, %arg2: memref<102400000xf32, #tpu.memory_space<hbm>>, %arg3: memref<32x50x128xi32, #tpu.memory_space<hbm>>, %arg4: memref<32x50x128xf32, #tpu.memory_space<hbm>>, %arg5: memref<102400000xf32, #tpu.memory_space<hbm>>, %arg6: memref<128xi32, #tpu.memory_space<vmem>>, %arg7: memref<128xf32, #tpu.memory_space<vmem>>, %arg8: memref<128xf32, #tpu.memory_space<vmem>>, %arg9: memref<!tpu.dma_semaphore, #tpu.memory_space<semaphore_mem>>, %arg10: memref<!tpu.dma_semaphore, #tpu.memory_space<semaphore_mem>>) attributes {dimension_semantics = [#tpu.dimension_semantics<core_parallel>, #tpu.dimension_semantics<subcore_parallel>], iteration_bounds = array<i64: 2, 16>, scalar_prefetch = 0 : i64, scratch_operands = 5 : i64, tpu.core_type = #tpu.core_type<sc_vector_subcore>, window_params = [{transform_indices = #map}, {transform_indices = #map1}, {transform_indices = #map1}, {transform_indices = #map}]} {
    %mul3A = arith.constant 2 : i32
    %mul3A_0 = arith.muli %arg1, %mul3A : i32
    %add3A = arith.addi %mul3A_0, %arg0 : i32
    %scan3A = arith.constant 0 : i32
    %scan3A_1 = arith.constant 0 : i32
    %scan3A_2 = arith.constant 50 : i32
    %scan3A_3 = arith.addi %scan3A_1, %scan3A_2 : i32
    %scan3A_4 = arith.constant 1 : i32
    scf.for %scan3A_6 = %scan3A_1 to %scan3A_3 step %scan3A_4  : i32 {
      "tpu.region"() ({
        %run_scoped3A = tpu.sem_alloc : memref<!tpu.dma_semaphore, #tpu.memory_space<semaphore_mem>>
        %dma_start3A_101 = arith.constant 0 : i32
        %dma_start3A_102 = tpu.memref_slice %arg3[%add3A, %scan3A_6, %dma_start3A_101] : memref<32x50x128xi32, #tpu.memory_space<hbm>> -> memref<1x1x128xi32, #tpu.memory_space<hbm>>
        %dma_start3A_103 = tpu.memref_squeeze %dma_start3A_102 : memref<1x1x128xi32, #tpu.memory_space<hbm>> -> memref<128xi32, #tpu.memory_space<hbm>>
        %dma_start3A_104 = arith.constant 0 : i32
        %dma_start3A_105 = tpu.memref_slice %arg3[%add3A, %scan3A_6, %dma_start3A_104] : memref<32x50x128xi32, #tpu.memory_space<hbm>> -> memref<1x1x128xi32, #tpu.memory_space<hbm>>
        %dma_start3A_106 = tpu.memref_squeeze %dma_start3A_105 : memref<1x1x128xi32, #tpu.memory_space<hbm>> -> memref<128xi32, #tpu.memory_space<hbm>>
        tpu.enqueue_dma source(%dma_start3A_106 : memref<128xi32, #tpu.memory_space<hbm>>) target(%arg6 : memref<128xi32, #tpu.memory_space<vmem>>) target_semaphore(%run_scoped3A : memref<!tpu.dma_semaphore, #tpu.memory_space<semaphore_mem>>)
        %dma_wait3A_107 = arith.constant 0 : i32
        %dma_wait3A_108 = tpu.memref_slice %arg3[%add3A, %scan3A_6, %dma_wait3A_107] : memref<32x50x128xi32, #tpu.memory_space<hbm>> -> memref<1x1x128xi32, #tpu.memory_space<hbm>>
        %dma_wait3A_109 = tpu.memref_squeeze %dma_wait3A_108 : memref<1x1x128xi32, #tpu.memory_space<hbm>> -> memref<128xi32, #tpu.memory_space<hbm>>
        %dma_wait3A_110 = arith.constant 0 : i32
        %dma_wait3A_111 = tpu.memref_slice %arg3[%add3A, %scan3A_6, %dma_wait3A_110] : memref<32x50x128xi32, #tpu.memory_space<hbm>> -> memref<1x1x128xi32, #tpu.memory_space<hbm>>
        %dma_wait3A_112 = tpu.memref_squeeze %dma_wait3A_111 : memref<1x1x128xi32, #tpu.memory_space<hbm>> -> memref<128xi32, #tpu.memory_space<hbm>>
        tpu.wait_dma2 semaphore(%run_scoped3A : memref<!tpu.dma_semaphore, #tpu.memory_space<semaphore_mem>>) src(%dma_wait3A_112 : memref<128xi32, #tpu.memory_space<hbm>>) dst(%arg6 : memref<128xi32, #tpu.memory_space<vmem>>)
        tpu.yield
      }) : () -> ()
      "tpu.region"() ({
        %run_scoped3A = tpu.sem_alloc : memref<!tpu.dma_semaphore, #tpu.memory_space<semaphore_mem>>
        %dma_start3A_101 = arith.constant 0 : i32
        %dma_start3A_102 = tpu.memref_slice %arg4[%add3A, %scan3A_6, %dma_start3A_101] : memref<32x50x128xf32, #tpu.memory_space<hbm>> -> memref<1x1x128xf32, #tpu.memory_space<hbm>>
        %dma_start3A_103 = tpu.memref_squeeze %dma_start3A_102 : memref<1x1x128xf32, #tpu.memory_space<hbm>> -> memref<128xf32, #tpu.memory_space<hbm>>
        %dma_start3A_104 = arith.constant 0 : i32
        %dma_start3A_105 = tpu.memref_slice %arg4[%add3A, %scan3A_6, %dma_start3A_104] : memref<32x50x128xf32, #tpu.memory_space<hbm>> -> memref<1x1x128xf32, #tpu.memory_space<hbm>>
        %dma_start3A_106 = tpu.memref_squeeze %dma_start3A_105 : memref<1x1x128xf32, #tpu.memory_space<hbm>> -> memref<128xf32, #tpu.memory_space<hbm>>
        tpu.enqueue_dma source(%dma_start3A_106 : memref<128xf32, #tpu.memory_space<hbm>>) target(%arg7 : memref<128xf32, #tpu.memory_space<vmem>>) target_semaphore(%run_scoped3A : memref<!tpu.dma_semaphore, #tpu.memory_space<semaphore_mem>>)
        %dma_wait3A_107 = arith.constant 0 : i32
        %dma_wait3A_108 = tpu.memref_slice %arg4[%add3A, %scan3A_6, %dma_wait3A_107] : memref<32x50x128xf32, #tpu.memory_space<hbm>> -> memref<1x1x128xf32, #tpu.memory_space<hbm>>
        %dma_wait3A_109 = tpu.memref_squeeze %dma_wait3A_108 : memref<1x1x128xf32, #tpu.memory_space<hbm>> -> memref<128xf32, #tpu.memory_space<hbm>>
        %dma_wait3A_110 = arith.constant 0 : i32
        %dma_wait3A_111 = tpu.memref_slice %arg4[%add3A, %scan3A_6, %dma_wait3A_110] : memref<32x50x128xf32, #tpu.memory_space<hbm>> -> memref<1x1x128xf32, #tpu.memory_space<hbm>>
        %dma_wait3A_112 = tpu.memref_squeeze %dma_wait3A_111 : memref<1x1x128xf32, #tpu.memory_space<hbm>> -> memref<128xf32, #tpu.memory_space<hbm>>
        tpu.wait_dma2 semaphore(%run_scoped3A : memref<!tpu.dma_semaphore, #tpu.memory_space<semaphore_mem>>) src(%dma_wait3A_112 : memref<128xf32, #tpu.memory_space<hbm>>) dst(%arg7 : memref<128xf32, #tpu.memory_space<vmem>>)
        tpu.yield
      }) : () -> ()
      %dma_start3A = arith.constant 0 : i32
      %dma_start3A_7 = tpu.memref_slice %arg2[%dma_start3A] : memref<102400000xf32, #tpu.memory_space<hbm>> -> memref<102400000xf32, #tpu.memory_space<hbm>>
      %dma_start3A_8 = arith.constant -1 : i32
      tpu.enqueue_indirect_dma source(%dma_start3A_7 : memref<102400000xf32, #tpu.memory_space<hbm>>) target(%arg8 : memref<128xf32, #tpu.memory_space<vmem>>) offsets(%arg6 : memref<128xi32, #tpu.memory_space<vmem>>) offset_filter(%dma_start3A_8) semaphore(%arg9 : memref<!tpu.dma_semaphore, #tpu.memory_space<semaphore_mem>>)
      %dma_wait3A = arith.constant 0 : i32
      %dma_wait3A_9 = tpu.memref_slice %arg2[%dma_wait3A] : memref<102400000xf32, #tpu.memory_space<hbm>> -> memref<102400000xf32, #tpu.memory_space<hbm>>
      tpu.wait_indirect_dma semaphore(%arg9 : memref<!tpu.dma_semaphore, #tpu.memory_space<semaphore_mem>>) src(%dma_wait3A_9 : memref<102400000xf32, #tpu.memory_space<hbm>>) dst(%arg8 : memref<128xf32, #tpu.memory_space<vmem>>)
      %get3A = arith.constant 0 : index
      %get3A_10 = tpu.vector_load %arg8[%get3A] {strides = array<i32>} : memref<128xf32, #tpu.memory_space<vmem>>, vector<16xf32>,
      %get3A_11 = vector.shape_cast %get3A_10 : vector<16xf32> to vector<16xf32>
      %get3A_12 = arith.constant 0 : index
      %get3A_13 = tpu.vector_load %arg7[%get3A_12] {strides = array<i32>} : memref<128xf32, #tpu.memory_space<vmem>>, vector<16xf32>,
      %get3A_14 = vector.shape_cast %get3A_13 : vector<16xf32> to vector<16xf32>
      %add3A_15 = arith.addf %get3A_11, %get3A_14 : vector<16xf32>
      %swap3A = arith.constant 0 : index
      %swap3A_16 = tpu.vector_load %arg8[%swap3A] {strides = array<i32>} : memref<128xf32, #tpu.memory_space<vmem>>, vector<16xf32>,
      %swap3A_17 = vector.shape_cast %swap3A_16 : vector<16xf32> to vector<16xf32>
      %swap3A_18 = vector.shape_cast %add3A_15 : vector<16xf32> to vector<16xf32>
      tpu.vector_store %arg8[%swap3A], %swap3A_18 {strides = array<i32>} : memref<128xf32, #tpu.memory_space<vmem>>, vector<16xf32>,
      %get3A_19 = arith.constant 16 : index
      %get3A_20 = tpu.vector_load %arg8[%get3A_19] {strides = array<i32>} : memref<128xf32, #tpu.memory_space<vmem>>, vector<16xf32>,
      %get3A_21 = vector.shape_cast %get3A_20 : vector<16xf32> to vector<16xf32>
      %get3A_22 = arith.constant 16 : index
      %get3A_23 = tpu.vector_load %arg7[%get3A_22] {strides = array<i32>} : memref<128xf32, #tpu.memory_space<vmem>>, vector<16xf32>,
      %get3A_24 = vector.shape_cast %get3A_23 : vector<16xf32> to vector<16xf32>
      %add3A_25 = arith.addf %get3A_21, %get3A_24 : vector<16xf32>
      %swap3A_26 = arith.constant 16 : index
      %swap3A_27 = tpu.vector_load %arg8[%swap3A_26] {strides = array<i32>} : memref<128xf32, #tpu.memory_space<vmem>>, vector<16xf32>,
      %swap3A_28 = vector.shape_cast %swap3A_27 : vector<16xf32> to vector<16xf32>
      %swap3A_29 = vector.shape_cast %add3A_25 : vector<16xf32> to vector<16xf32>
      tpu.vector_store %arg8[%swap3A_26], %swap3A_29 {strides = array<i32>} : memref<128xf32, #tpu.memory_space<vmem>>, vector<16xf32>,
      %get3A_30 = arith.constant 32 : index
      %get3A_31 = tpu.vector_load %arg8[%get3A_30] {strides = array<i32>} : memref<128xf32, #tpu.memory_space<vmem>>, vector<16xf32>,
      %get3A_32 = vector.shape_cast %get3A_31 : vector<16xf32> to vector<16xf32>
      %get3A_33 = arith.constant 32 : index
      %get3A_34 = tpu.vector_load %arg7[%get3A_33] {strides = array<i32>} : memref<128xf32, #tpu.memory_space<vmem>>, vector<16xf32>,
      %get3A_35 = vector.shape_cast %get3A_34 : vector<16xf32> to vector<16xf32>
      %add3A_36 = arith.addf %get3A_32, %get3A_35 : vector<16xf32>
      %swap3A_37 = arith.constant 32 : index
      %swap3A_38 = tpu.vector_load %arg8[%swap3A_37] {strides = array<i32>} : memref<128xf32, #tpu.memory_space<vmem>>, vector<16xf32>,
      %swap3A_39 = vector.shape_cast %swap3A_38 : vector<16xf32> to vector<16xf32>
      %swap3A_40 = vector.shape_cast %add3A_36 : vector<16xf32> to vector<16xf32>
      tpu.vector_store %arg8[%swap3A_37], %swap3A_40 {strides = array<i32>} : memref<128xf32, #tpu.memory_space<vmem>>, vector<16xf32>,
      %get3A_41 = arith.constant 48 : index
      %get3A_42 = tpu.vector_load %arg8[%get3A_41] {strides = array<i32>} : memref<128xf32, #tpu.memory_space<vmem>>, vector<16xf32>,
      %get3A_43 = vector.shape_cast %get3A_42 : vector<16xf32> to vector<16xf32>
      %get3A_44 = arith.constant 48 : index
      %get3A_45 = tpu.vector_load %arg7[%get3A_44] {strides = array<i32>} : memref<128xf32, #tpu.memory_space<vmem>>, vector<16xf32>,
      %get3A_46 = vector.shape_cast %get3A_45 : vector<16xf32> to vector<16xf32>
      %add3A_47 = arith.addf %get3A_43, %get3A_46 : vector<16xf32>
      %swap3A_48 = arith.constant 48 : index
      %swap3A_49 = tpu.vector_load %arg8[%swap3A_48] {strides = array<i32>} : memref<128xf32, #tpu.memory_space<vmem>>, vector<16xf32>,
      %swap3A_50 = vector.shape_cast %swap3A_49 : vector<16xf32> to vector<16xf32>
      %swap3A_51 = vector.shape_cast %add3A_47 : vector<16xf32> to vector<16xf32>
      tpu.vector_store %arg8[%swap3A_48], %swap3A_51 {strides = array<i32>} : memref<128xf32, #tpu.memory_space<vmem>>, vector<16xf32>,
      %get3A_52 = arith.constant 64 : index
      %get3A_53 = tpu.vector_load %arg8[%get3A_52] {strides = array<i32>} : memref<128xf32, #tpu.memory_space<vmem>>, vector<16xf32>,
      %get3A_54 = vector.shape_cast %get3A_53 : vector<16xf32> to vector<16xf32>
      %get3A_55 = arith.constant 64 : index
      %get3A_56 = tpu.vector_load %arg7[%get3A_55] {strides = array<i32>} : memref<128xf32, #tpu.memory_space<vmem>>, vector<16xf32>,
      %get3A_57 = vector.shape_cast %get3A_56 : vector<16xf32> to vector<16xf32>
      %add3A_58 = arith.addf %get3A_54, %get3A_57 : vector<16xf32>
      %swap3A_59 = arith.constant 64 : index
      %swap3A_60 = tpu.vector_load %arg8[%swap3A_59] {strides = array<i32>} : memref<128xf32, #tpu.memory_space<vmem>>, vector<16xf32>,
      %swap3A_61 = vector.shape_cast %swap3A_60 : vector<16xf32> to vector<16xf32>
      %swap3A_62 = vector.shape_cast %add3A_58 : vector<16xf32> to vector<16xf32>
      tpu.vector_store %arg8[%swap3A_59], %swap3A_62 {strides = array<i32>} : memref<128xf32, #tpu.memory_space<vmem>>, vector<16xf32>,
      %get3A_63 = arith.constant 80 : index
      %get3A_64 = tpu.vector_load %arg8[%get3A_63] {strides = array<i32>} : memref<128xf32, #tpu.memory_space<vmem>>, vector<16xf32>,
      %get3A_65 = vector.shape_cast %get3A_64 : vector<16xf32> to vector<16xf32>
      %get3A_66 = arith.constant 80 : index
      %get3A_67 = tpu.vector_load %arg7[%get3A_66] {strides = array<i32>} : memref<128xf32, #tpu.memory_space<vmem>>, vector<16xf32>,
      %get3A_68 = vector.shape_cast %get3A_67 : vector<16xf32> to vector<16xf32>
      %add3A_69 = arith.addf %get3A_65, %get3A_68 : vector<16xf32>
      %swap3A_70 = arith.constant 80 : index
      %swap3A_71 = tpu.vector_load %arg8[%swap3A_70] {strides = array<i32>} : memref<128xf32, #tpu.memory_space<vmem>>, vector<16xf32>,
      %swap3A_72 = vector.shape_cast %swap3A_71 : vector<16xf32> to vector<16xf32>
      %swap3A_73 = vector.shape_cast %add3A_69 : vector<16xf32> to vector<16xf32>
      tpu.vector_store %arg8[%swap3A_70], %swap3A_73 {strides = array<i32>} : memref<128xf32, #tpu.memory_space<vmem>>, vector<16xf32>,
      %get3A_74 = arith.constant 96 : index
      %get3A_75 = tpu.vector_load %arg8[%get3A_74] {strides = array<i32>} : memref<128xf32, #tpu.memory_space<vmem>>, vector<16xf32>,
      %get3A_76 = vector.shape_cast %get3A_75 : vector<16xf32> to vector<16xf32>
      %get3A_77 = arith.constant 96 : index
      %get3A_78 = tpu.vector_load %arg7[%get3A_77] {strides = array<i32>} : memref<128xf32, #tpu.memory_space<vmem>>, vector<16xf32>,
      %get3A_79 = vector.shape_cast %get3A_78 : vector<16xf32> to vector<16xf32>
      %add3A_80 = arith.addf %get3A_76, %get3A_79 : vector<16xf32>
      %swap3A_81 = arith.constant 96 : index
      %swap3A_82 = tpu.vector_load %arg8[%swap3A_81] {strides = array<i32>} : memref<128xf32, #tpu.memory_space<vmem>>, vector<16xf32>,
      %swap3A_83 = vector.shape_cast %swap3A_82 : vector<16xf32> to vector<16xf32>
      %swap3A_84 = vector.shape_cast %add3A_80 : vector<16xf32> to vector<16xf32>
      tpu.vector_store %arg8[%swap3A_81], %swap3A_84 {strides = array<i32>} : memref<128xf32, #tpu.memory_space<vmem>>, vector<16xf32>,
      %get3A_85 = arith.constant 112 : index
      %get3A_86 = tpu.vector_load %arg8[%get3A_85] {strides = array<i32>} : memref<128xf32, #tpu.memory_space<vmem>>, vector<16xf32>,
      %get3A_87 = vector.shape_cast %get3A_86 : vector<16xf32> to vector<16xf32>
      %get3A_88 = arith.constant 112 : index
      %get3A_89 = tpu.vector_load %arg7[%get3A_88] {strides = array<i32>} : memref<128xf32, #tpu.memory_space<vmem>>, vector<16xf32>,
      %get3A_90 = vector.shape_cast %get3A_89 : vector<16xf32> to vector<16xf32>
      %add3A_91 = arith.addf %get3A_87, %get3A_90 : vector<16xf32>
      %swap3A_92 = arith.constant 112 : index
      %swap3A_93 = tpu.vector_load %arg8[%swap3A_92] {strides = array<i32>} : memref<128xf32, #tpu.memory_space<vmem>>, vector<16xf32>,
      %swap3A_94 = vector.shape_cast %swap3A_93 : vector<16xf32> to vector<16xf32>
      %swap3A_95 = vector.shape_cast %add3A_91 : vector<16xf32> to vector<16xf32>
      tpu.vector_store %arg8[%swap3A_92], %swap3A_95 {strides = array<i32>} : memref<128xf32, #tpu.memory_space<vmem>>, vector<16xf32>,
      %dma_start3A_96 = arith.constant 0 : i32
      %dma_start3A_97 = tpu.memref_slice %arg2[%dma_start3A_96] : memref<102400000xf32, #tpu.memory_space<hbm>> -> memref<102400000xf32, #tpu.memory_space<hbm>>
      %dma_start3A_98 = arith.constant -1 : i32
      tpu.enqueue_indirect_dma source(%arg8 : memref<128xf32, #tpu.memory_space<vmem>>) target(%dma_start3A_97 : memref<102400000xf32, #tpu.memory_space<hbm>>) offsets(%arg6 : memref<128xi32, #tpu.memory_space<vmem>>) offset_filter(%dma_start3A_98) semaphore(%arg10 : memref<!tpu.dma_semaphore, #tpu.memory_space<semaphore_mem>>)
      %dma_wait3A_99 = arith.constant 0 : i32
      %dma_wait3A_100 = tpu.memref_slice %arg2[%dma_wait3A_99] : memref<102400000xf32, #tpu.memory_space<hbm>> -> memref<102400000xf32, #tpu.memory_space<hbm>>
      tpu.wait_indirect_dma semaphore(%arg10 : memref<!tpu.dma_semaphore, #tpu.memory_space<semaphore_mem>>) src(%arg8 : memref<128xf32, #tpu.memory_space<vmem>>) dst(%dma_wait3A_100 : memref<102400000xf32, #tpu.memory_space<hbm>>)
    }
    %scan3A_5 = arith.constant 50 : i32
    return
  }
}

module attributes {stable_mosaic.version = 14 : i64} {
  func.func @_pass1_body(%arg0: i32, %arg1: memref<1024x128xf32, #tpu.memory_space<vmem>>, %arg2: memref<2048x128xf32, #tpu.memory_space<vmem>>, %arg3: memref<1x2048xf32, #tpu.memory_space<vmem>>, %arg4: memref<1x128xf32, #tpu.memory_space<vmem>>, %arg5: memref<1x1xf32, #tpu.memory_space<vmem>>, %arg6: memref<1x1024xf32, #tpu.memory_space<vmem>>, %arg7: memref<1x1024xf32, #tpu.memory_space<vmem>>, %arg8: memref<1x1024xf32, #tpu.memory_space<vmem>>) attributes {dimension_semantics = [#tpu.dimension_semantics<arbitrary>], iteration_bounds = array<i64: 49>, scalar_prefetch = 0 : i64, scratch_operands = 0 : i64, tpu.core_type = #tpu.core_type<tc>, window_params = [{pipeline_mode = #tpu.pipeline_mode<synchronous>, transform_indices = @transform_0, window_bounds = array<i64: 1024, 128>}, {transform_indices = @transform_1, window_bounds = array<i64: 2048, 128>}, {transform_indices = @transform_2, window_bounds = array<i64: 1, 2048>}, {pipeline_mode = #tpu.pipeline_mode<synchronous>, transform_indices = @transform_3, window_bounds = array<i64: 1, 128>}, {pipeline_mode = #tpu.pipeline_mode<synchronous>, transform_indices = @transform_4, window_bounds = array<i64: 1, 1>}, {pipeline_mode = #tpu.pipeline_mode<synchronous>, transform_indices = @transform_5, window_bounds = array<i64: 1, 1024>}, {pipeline_mode = #tpu.pipeline_mode<synchronous>, transform_indices = @transform_6, window_bounds = array<i64: 1, 1024>}, {pipeline_mode = #tpu.pipeline_mode<synchronous>, transform_indices = @transform_7, window_bounds = array<i64: 1, 1024>}]} {
    %eq3A = arith.constant 0 : i32
    %eq3A_0 = arith.cmpi eq, %arg0, %eq3A : i32
    %convert_element_type3A = arith.extui %eq3A_0 : i1 to i32
    %cond3A = arith.constant 0 : i32
    %cond3A_1 = arith.cmpi ne, %convert_element_type3A, %cond3A : i32
    scf.if %cond3A_1 {
      %get3A_41 = arith.constant 0 : index
      %get3A_42 = arith.constant 0 : index
      %get3A_43 = vector.load %arg4[%get3A_41, %get3A_42] : memref<1x128xf32, #tpu.memory_space<vmem>>, vector<1x128xf32>
      %get3A_44 = arith.constant 0 : index
      %get3A_45 = arith.constant 0 : index
      %get3A_46 = vector.load %arg1[%get3A_44, %get3A_45] : memref<1024x128xf32, #tpu.memory_space<vmem>>, vector<1024x128xf32>
      %dot_general3A_47 = arith.constant dense<0.000000e+00> : vector<1x1024xf32>
      %dot_general3A_48 = tpu.matmul %get3A_43, %get3A_46, %dot_general3A_47 {dimension_numbers = #tpu.dot_dimension_numbers<[1], [1], [0], [0], [0, 0, 1, 0], [], []>, transpose_lhs_hint = false} : vector<1x128xf32>, vector<1024x128xf32>, vector<1x1024xf32> -> vector<1x1024xf32>
      %get3A_49 = arith.constant 0 : index
      %get3A_50 = arith.constant 0 : index
      %get3A_51 = vector.load %arg5[%get3A_49, %get3A_50] : memref<1x1xf32, #tpu.memory_space<vmem>>, vector<1x1xf32>
      %get3A_52 = vector.extract %get3A_51[0, 0] : f32 from vector<1x1xf32>
      %add3A_53 = vector.broadcast %get3A_52 : f32 to vector<1x1024xf32>
      %add3A_54 = arith.addf %dot_general3A_48, %add3A_53 : vector<1x1024xf32>
      %logistic3A = arith.negf %add3A_54 : vector<1x1024xf32>
      %logistic3A_55 = math.exp %logistic3A : vector<1x1024xf32>
      %logistic3A_56 = arith.constant 1.000000e+00 : f32
      %logistic3A_57 = vector.broadcast %logistic3A_56 : f32 to vector<1x1024xf32>
      %logistic3A_58 = arith.addf %logistic3A_57, %logistic3A_55 : vector<1x1024xf32>
      %logistic3A_59 = arith.divf %logistic3A_57, %logistic3A_58 : vector<1x1024xf32>
      %swap3A_60 = arith.constant 0 : index
      %swap3A_61 = arith.constant 0 : index
      %swap3A_62 = vector.load %arg8[%swap3A_60, %swap3A_61] : memref<1x1024xf32, #tpu.memory_space<vmem>>, vector<1x1024xf32>
      tpu.vector_store %arg8[%swap3A_60, %swap3A_61], %logistic3A_59 {strides = array<i32>} : memref<1x1024xf32, #tpu.memory_space<vmem>>, vector<1x1024xf32>,
      %broadcast_in_dim3A_63 = arith.constant -1.000000e+30 : f32
      %broadcast_in_dim3A_64 = vector.broadcast %broadcast_in_dim3A_63 : f32 to vector<1x1024xf32>
      %swap3A_65 = arith.constant 0 : index
      %swap3A_66 = arith.constant 0 : index
      %swap3A_67 = vector.load %arg6[%swap3A_65, %swap3A_66] : memref<1x1024xf32, #tpu.memory_space<vmem>>, vector<1x1024xf32>
      tpu.vector_store %arg6[%swap3A_65, %swap3A_66], %broadcast_in_dim3A_64 {strides = array<i32>} : memref<1x1024xf32, #tpu.memory_space<vmem>>, vector<1x1024xf32>,
      %broadcast_in_dim3A_68 = arith.constant 0.000000e+00 : f32
      %broadcast_in_dim3A_69 = vector.broadcast %broadcast_in_dim3A_68 : f32 to vector<1x1024xf32>
      %swap3A_70 = arith.constant 0 : index
      %swap3A_71 = arith.constant 0 : index
      %swap3A_72 = vector.load %arg7[%swap3A_70, %swap3A_71] : memref<1x1024xf32, #tpu.memory_space<vmem>>, vector<1x1024xf32>
      tpu.vector_store %arg7[%swap3A_70, %swap3A_71], %broadcast_in_dim3A_69 {strides = array<i32>} : memref<1x1024xf32, #tpu.memory_space<vmem>>, vector<1x1024xf32>,
    } else {
    }
    %get3A = arith.constant 0 : index
    %get3A_2 = arith.constant 0 : index
    %get3A_3 = vector.load %arg1[%get3A, %get3A_2] : memref<1024x128xf32, #tpu.memory_space<vmem>>, vector<1024x128xf32>
    %convert_element_type3A_4 = arith.truncf %get3A_3 : vector<1024x128xf32> to vector<1024x128xbf16>
    %get3A_5 = arith.constant 0 : index
    %get3A_6 = arith.constant 0 : index
    %get3A_7 = vector.load %arg2[%get3A_5, %get3A_6] : memref<2048x128xf32, #tpu.memory_space<vmem>>, vector<2048x128xf32>
    %convert_element_type3A_8 = arith.truncf %get3A_7 : vector<2048x128xf32> to vector<2048x128xbf16>
    %dot_general3A = arith.constant dense<0.000000e+00> : vector<2048x1024xf32>
    %dot_general3A_9 = tpu.matmul %convert_element_type3A_8, %convert_element_type3A_4, %dot_general3A {dimension_numbers = #tpu.dot_dimension_numbers<[1], [1], [0], [0], [0, 0, 1, 0], [], []>, transpose_lhs_hint = false} : vector<2048x128xbf16>, vector<1024x128xbf16>, vector<2048x1024xf32> -> vector<2048x1024xf32>
    %get3A_10 = arith.constant 0 : index
    %get3A_11 = arith.constant 0 : index
    %get3A_12 = vector.load %arg3[%get3A_10, %get3A_11] : memref<1x2048xf32, #tpu.memory_space<vmem>>, vector<1x2048xf32>
    %transpose3A = tpu.transpose %get3A_12, [1, 0] : vector<1x2048xf32> -> vector<2048x1xf32>
    %add3A = vector.broadcast %transpose3A : vector<2048x1xf32> to vector<2048x1024xf32>
    %add3A_13 = arith.addf %dot_general3A_9, %add3A : vector<2048x1024xf32>
    %mul3A = arith.constant 2048 : i32
    %mul3A_14 = arith.muli %arg0, %mul3A : i32
    %iota3A = tpu.iota {dimensions = array<i32: 0>} : vector<2048x1xi32>
    %add3A_15 = vector.broadcast %mul3A_14 : i32 to vector<2048x1xi32>
    %add3A_16 = arith.addi %add3A_15, %iota3A : vector<2048x1xi32>
    %lt3A = arith.constant 100000 : i32
    %lt3A_17 = vector.broadcast %lt3A : i32 to vector<2048x1xi32>
    %lt3A_18 = arith.cmpi slt, %add3A_16, %lt3A_17 : vector<2048x1xi32>
    %jit3A = arith.constant -1.000000e+30 : f32
    %broadcast_in_dim3A = vector.shape_cast %lt3A_18 : vector<2048x1xi1> to vector<2048x1xi1>
    %broadcast_in_dim3A_19 = vector.broadcast %broadcast_in_dim3A : vector<2048x1xi1> to vector<2048x1024xi1>
    %broadcast_in_dim3A_20 = vector.broadcast %jit3A : f32 to vector<2048x1024xf32>
    %select_n3A = arith.select %broadcast_in_dim3A_19, %add3A_13, %broadcast_in_dim3A_20 : vector<2048x1024xi1>, vector<2048x1024xf32>
    %get3A_21 = arith.constant 0 : index
    %get3A_22 = arith.constant 0 : index
    %get3A_23 = vector.load %arg6[%get3A_21, %get3A_22] : memref<1x1024xf32, #tpu.memory_space<vmem>>, vector<1x1024xf32>
    %reduce_max3A = arith.constant dense<0xFF800000> : vector<1024xf32>
    %reduce_max3A_24 = vector.multi_reduction <maximumf>, %select_n3A, %reduce_max3A [0] : vector<2048x1024xf32> to vector<1024xf32>
    %broadcast_in_dim3A_25 = vector.shape_cast %reduce_max3A_24 : vector<1024xf32> to vector<1x1024xf32>
    %max3A = arith.maximumf %get3A_23, %broadcast_in_dim3A_25 : vector<1x1024xf32>
    %get3A_26 = arith.constant 0 : index
    %get3A_27 = arith.constant 0 : index
    %get3A_28 = vector.load %arg7[%get3A_26, %get3A_27] : memref<1x1024xf32, #tpu.memory_space<vmem>>, vector<1x1024xf32>
    %sub3A = arith.subf %get3A_23, %max3A : vector<1x1024xf32>
    %exp3A = math.exp %sub3A : vector<1x1024xf32>
    %mul3A_29 = arith.mulf %get3A_28, %exp3A : vector<1x1024xf32>
    %sub3A_30 = vector.broadcast %max3A : vector<1x1024xf32> to vector<2048x1024xf32>
    %sub3A_31 = arith.subf %select_n3A, %sub3A_30 : vector<2048x1024xf32>
    %exp3A_32 = math.exp %sub3A_31 : vector<2048x1024xf32>
    %reduce_sum3A = arith.constant dense<0.000000e+00> : vector<1024xf32>
    %reduce_sum3A_33 = vector.multi_reduction <add>, %exp3A_32, %reduce_sum3A [0] : vector<2048x1024xf32> to vector<1024xf32>
    %broadcast_in_dim3A_34 = vector.shape_cast %reduce_sum3A_33 : vector<1024xf32> to vector<1x1024xf32>
    %add3A_35 = arith.addf %mul3A_29, %broadcast_in_dim3A_34 : vector<1x1024xf32>
    %swap3A = arith.constant 0 : index
    %swap3A_36 = arith.constant 0 : index
    %swap3A_37 = vector.load %arg7[%swap3A, %swap3A_36] : memref<1x1024xf32, #tpu.memory_space<vmem>>, vector<1x1024xf32>
    tpu.vector_store %arg7[%swap3A, %swap3A_36], %add3A_35 {strides = array<i32>} : memref<1x1024xf32, #tpu.memory_space<vmem>>, vector<1x1024xf32>,
    %swap3A_38 = arith.constant 0 : index
    %swap3A_39 = arith.constant 0 : index
    %swap3A_40 = vector.load %arg6[%swap3A_38, %swap3A_39] : memref<1x1024xf32, #tpu.memory_space<vmem>>, vector<1x1024xf32>
    tpu.vector_store %arg6[%swap3A_38, %swap3A_39], %max3A {strides = array<i32>} : memref<1x1024xf32, #tpu.memory_space<vmem>>, vector<1x1024xf32>,
    return
  }
  func.func @transform_0(%arg0: i32) -> (i32, i32) {
    %c0_i32 = arith.constant 0 : i32
    %c0_i32_0 = arith.constant 0 : i32
    %c0_i32_1 = arith.constant 0 : i32
    return %c0_i32, %c0_i32_0 : i32, i32
  }
  func.func @transform_1(%arg0: i32) -> (i32, i32) {
    %c0_i32 = arith.constant 0 : i32
    %c0_i32_0 = arith.constant 0 : i32
    return %arg0, %c0_i32 : i32, i32
  }
  func.func @transform_2(%arg0: i32) -> (i32, i32) {
    %c0_i32 = arith.constant 0 : i32
    %c0_i32_0 = arith.constant 0 : i32
    return %c0_i32, %arg0 : i32, i32
  }
  func.func @transform_3(%arg0: i32) -> (i32, i32) {
    %c0_i32 = arith.constant 0 : i32
    %c0_i32_0 = arith.constant 0 : i32
    %c0_i32_1 = arith.constant 0 : i32
    return %c0_i32, %c0_i32_0 : i32, i32
  }
  func.func @transform_4(%arg0: i32) -> (i32, i32) {
    %c0_i32 = arith.constant 0 : i32
    %c0_i32_0 = arith.constant 0 : i32
    %c0_i32_1 = arith.constant 0 : i32
    return %c0_i32, %c0_i32_0 : i32, i32
  }
  func.func @transform_5(%arg0: i32) -> (i32, i32) {
    %c0_i32 = arith.constant 0 : i32
    %c0_i32_0 = arith.constant 0 : i32
    %c0_i32_1 = arith.constant 0 : i32
    return %c0_i32, %c0_i32_0 : i32, i32
  }
  func.func @transform_6(%arg0: i32) -> (i32, i32) {
    %c0_i32 = arith.constant 0 : i32
    %c0_i32_0 = arith.constant 0 : i32
    %c0_i32_1 = arith.constant 0 : i32
    return %c0_i32, %c0_i32_0 : i32, i32
  }
  func.func @transform_7(%arg0: i32) -> (i32, i32) {
    %c0_i32 = arith.constant 0 : i32
    %c0_i32_0 = arith.constant 0 : i32
    %c0_i32_1 = arith.constant 0 : i32
    return %c0_i32, %c0_i32_0 : i32, i32
  }
}

module attributes {stable_mosaic.version = 14 : i64} {
  func.func @_pass2_body(%arg0: i32, %arg1: i32, %arg2: memref<128x128xf32, #tpu.memory_space<vmem>>, %arg3: memref<2048x128xf32, #tpu.memory_space<vmem>>, %arg4: memref<1x2048xf32, #tpu.memory_space<vmem>>, %arg5: memref<1x128xf32, #tpu.memory_space<vmem>>, %arg6: memref<1x128xf32, #tpu.memory_space<vmem>>, %arg7: memref<256x1x8x128xf32, #tpu.memory_space<vmem>>) attributes {dimension_semantics = [#tpu.dimension_semantics<arbitrary>, #tpu.dimension_semantics<arbitrary>], iteration_bounds = array<i64: 49, 8>, scalar_prefetch = 0 : i64, scratch_operands = 0 : i64, tpu.core_type = #tpu.core_type<tc>, window_params = [{transform_indices = @transform_0, window_bounds = array<i64: 128, 128>}, {transform_indices = @transform_1, window_bounds = array<i64: 2048, 128>}, {transform_indices = @transform_2, window_bounds = array<i64: 1, 2048>}, {transform_indices = @transform_3, window_bounds = array<i64: 1, 128>}, {transform_indices = @transform_4, window_bounds = array<i64: 1, 128>}, {transform_indices = @transform_5, window_bounds = array<i64: 256, 1, 8, 128>}]} {
    %get3A = arith.constant 0 : index
    %get3A_0 = arith.constant 0 : index
    %get3A_1 = vector.load %arg2[%get3A, %get3A_0] : memref<128x128xf32, #tpu.memory_space<vmem>>, vector<128x128xf32>
    %convert_element_type3A = arith.truncf %get3A_1 : vector<128x128xf32> to vector<128x128xbf16>
    %get3A_2 = arith.constant 0 : index
    %get3A_3 = arith.constant 0 : index
    %get3A_4 = vector.load %arg3[%get3A_2, %get3A_3] : memref<2048x128xf32, #tpu.memory_space<vmem>>, vector<2048x128xf32>
    %convert_element_type3A_5 = arith.truncf %get3A_4 : vector<2048x128xf32> to vector<2048x128xbf16>
    %dot_general3A = arith.constant dense<0.000000e+00> : vector<2048x128xf32>
    %dot_general3A_6 = tpu.matmul %convert_element_type3A_5, %convert_element_type3A, %dot_general3A {dimension_numbers = #tpu.dot_dimension_numbers<[1], [1], [0], [0], [0, 0, 1, 0], [], []>, transpose_lhs_hint = false} : vector<2048x128xbf16>, vector<128x128xbf16>, vector<2048x128xf32> -> vector<2048x128xf32>
    %get3A_7 = arith.constant 0 : index
    %get3A_8 = arith.constant 0 : index
    %get3A_9 = vector.load %arg4[%get3A_7, %get3A_8] : memref<1x2048xf32, #tpu.memory_space<vmem>>, vector<1x2048xf32>
    %transpose3A = tpu.transpose %get3A_9, [1, 0] : vector<1x2048xf32> -> vector<2048x1xf32>
    %add3A = vector.broadcast %transpose3A : vector<2048x1xf32> to vector<2048x128xf32>
    %add3A_10 = arith.addf %dot_general3A_6, %add3A : vector<2048x128xf32>
    %get3A_11 = arith.constant 0 : index
    %get3A_12 = arith.constant 0 : index
    %get3A_13 = vector.load %arg5[%get3A_11, %get3A_12] : memref<1x128xf32, #tpu.memory_space<vmem>>, vector<1x128xf32>
    %sub3A = vector.broadcast %get3A_13 : vector<1x128xf32> to vector<2048x128xf32>
    %sub3A_14 = arith.subf %add3A_10, %sub3A : vector<2048x128xf32>
    %exp3A = math.exp %sub3A_14 : vector<2048x128xf32>
    %get3A_15 = arith.constant 0 : index
    %get3A_16 = arith.constant 0 : index
    %get3A_17 = vector.load %arg6[%get3A_15, %get3A_16] : memref<1x128xf32, #tpu.memory_space<vmem>>, vector<1x128xf32>
    %mul3A = vector.broadcast %get3A_17 : vector<1x128xf32> to vector<2048x128xf32>
    %mul3A_18 = arith.mulf %exp3A, %mul3A : vector<2048x128xf32>
    %reshape3A = vector.shape_cast %mul3A_18 : vector<2048x128xf32> to vector<256x8x128xf32>
    %swap3A = arith.constant 0 : index
    %swap3A_19 = arith.constant 0 : index
    %swap3A_20 = arith.constant 0 : index
    %swap3A_21 = arith.constant 0 : index
    %swap3A_22 = vector.load %arg7[%swap3A, %swap3A_19, %swap3A_20, %swap3A_21] : memref<256x1x8x128xf32, #tpu.memory_space<vmem>>, vector<256x1x8x128xf32>
    %swap3A_23 = vector.shape_cast %swap3A_22 : vector<256x1x8x128xf32> to vector<256x8x128xf32>
    %swap3A_24 = vector.shape_cast %reshape3A : vector<256x8x128xf32> to vector<256x1x8x128xf32>
    tpu.vector_store %arg7[%swap3A, %swap3A_19, %swap3A_20, %swap3A_21], %swap3A_24 {strides = array<i32>} : memref<256x1x8x128xf32, #tpu.memory_space<vmem>>, vector<256x1x8x128xf32>,
    return
  }
  func.func @transform_0(%arg0: i32, %arg1: i32) -> (i32, i32) {
    %c0_i32 = arith.constant 0 : i32
    %c0_i32_0 = arith.constant 0 : i32
    return %arg1, %c0_i32 : i32, i32
  }
  func.func @transform_1(%arg0: i32, %arg1: i32) -> (i32, i32) {
    %c0_i32 = arith.constant 0 : i32
    %c0_i32_0 = arith.constant 0 : i32
    return %arg0, %c0_i32 : i32, i32
  }
  func.func @transform_2(%arg0: i32, %arg1: i32) -> (i32, i32) {
    %c0_i32 = arith.constant 0 : i32
    %c0_i32_0 = arith.constant 0 : i32
    return %c0_i32, %arg0 : i32, i32
  }
  func.func @transform_3(%arg0: i32, %arg1: i32) -> (i32, i32) {
    %c0_i32 = arith.constant 0 : i32
    %c0_i32_0 = arith.constant 0 : i32
    return %c0_i32, %arg1 : i32, i32
  }
  func.func @transform_4(%arg0: i32, %arg1: i32) -> (i32, i32) {
    %c0_i32 = arith.constant 0 : i32
    %c0_i32_0 = arith.constant 0 : i32
    return %c0_i32, %arg1 : i32, i32
  }
  func.func @transform_5(%arg0: i32, %arg1: i32) -> (i32, i32, i32, i32) {
    %c0_i32 = arith.constant 0 : i32
    %c0_i32_0 = arith.constant 0 : i32
    %c0_i32_1 = arith.constant 0 : i32
    return %arg0, %arg1, %c0_i32, %c0_i32_0 : i32, i32, i32, i32
  }
}

</mosaic_0001>

<sc_bundles>
// kernel: kernel.5.cloned.1.call-start
scs
__scs_entry_jumppad:
0x0: {  	(pc) =	sbr.rel $0x88, $3  }
0x1: {  	(tag) =	ssettag $0x0;
	lr =	simm.s32 $0x1  }
0x2: {  	[smem:$0x3F9A] =	sst lr;
	_ =	strace $0xD0000000  }
0x3: {  	_ = 	snop  }
0x4: {  	_ = 	snop  }
0x5: {  	_ = 	snop  }
0x6: {  	_ = 	snop  }
0x7: {  	_ = 	snop  }
__scs_overlays_trampoline_lowered:
0x8: {  	[smem:$0x3FA9] =	sst s0  }
0x9: {  	[smem:$0x3FAA] =	sst s1  }
0xa: {  	[smem:$0x3FAB] =	sst s2  }
0xb: {  	[smem:$0x3FAC] =	sst s3  }
0xc: {  	[smem:$0x3FAD] =	sst s4  }
0xd: {  	[smem:$0x3FAE] =	sst s5  }
0xe: {  	[smem:$0x3FAF] =	sst s6  }
0xf: {  	[smem:$0x3FB0] =	sst s7  }
0x10: {  	[smem:$0x3FB1] =	sst s8  }
0x11: {  	[smem:$0x3FB2] =	sst s9;
	s0 =	simm.s32 @!p0 $0x0  }
0x12: {  	s1 =	sld [smem:$0x3F98];
	s0 =	simm.s32 @p0 $0x1  }
0x13: {  	[smem:$0x3FB3] =	sst s0;
	s0 =	simm.s32 @!p1 $0x0  }
0x14: {  	s2 =	sld [smem:$0x3F97];
	s0 =	simm.s32 @p1 $0x1  }
0x15: {  	[smem:$0x3FB4] =	sst s0;
	s0 =	simm.s32 @!p2 $0x0  }
0x16: {  	s3 =	sld [smem:$0x3FDB];
	s0 =	simm.s32 @p2 $0x1  }
0x17: {  	s4 =	simm.s32 $0x1BF5;
	[smem:$0x3FB6] =	sst s0  }
0x18: {  	s0 =	sld [smem:$0x3F99];
	_ =	swait.ge [sflag:s4], $0x0  }
0x19: {  	s7 =	sld [smem:$0x3F9A]  }
0x1a: {  	s8 =	sadd.s32 $0xFFFFE003, lr  }
0x1b: {  	s9 =	sadd.s32 $0xFFFFFEF7, lr;
	s5 =	simm.s32 $0xFFFFFFFF;
	p2 =	slt.u32 s8, $0xFFFFF086  }
0x1c: {  	p1 =	slt.u32 s9, $0xF7A;
	s5 =	simm.s32 @!p2 $0x0  }
0x1d: {  	s5 =	simm.s32 @p1 $0x1;
	p0 =	seq.s32 s7, s2  }
0x1e: {  	s7 =	smul.u32 @!p0 $0xF7A, s2;
	p2 =	seq.s32 @!p0 s5, $0x0  }
0x1f: {  	s9 =	smul.u32 $0xF7A, s1;
	s8 =	simm.s32 @!p0 $0x1BF5;
	p2 =	por !p2, p0  }
0x20: {  	[sflag:s8] =	ssyncset.s32 @!p0 $0xFFFFF086;
	s6 =	sadd.s32 @!p0 s3, s7;
	s7 =	simm.s32 @!p0 $0x108  }
0x21: {  	s3 =	sadd.s32 s3, s9;
	s6 =	sadd.s32 @!p0 $0x88, s6;
	s7 =	simm.s32 @p2 $0x1082  }
0x22: {  	[simem:s7], [sflag:s8] =	dma.local @!p0 [hbm:s6], $0xF7A  }
0x23: {  	s9 =	sor.u32 $0xD0000000, s2;
	s6 =	simm.s32 $0x108;
	_ =	swait.ge @!p0 [sflag:s8], $0x0  }
0x24: {  	s3 =	sadd.s32 $0x88, s3;
	s6 =	simm.s32 @!p1 $0x1082;
	[sflag:s4] =	ssyncset.s32 $0xFFFFF086  }
0x25: {  	[simem:s6], [sflag:s4] =	dma.local [hbm:s3], $0xF7A  }
0x26: {  	[smem:$0x3F9A] =	sst s1;
	(tag) =	ssettag s2;
	_ =	strace s9  }
0x27: {  	s1 =	sld [smem:$0x3FAA]  }
0x28: {  	s2 =	sld [smem:$0x3FAB]  }
0x29: {  	s4 =	sld [smem:$0x3FAD]  }
0x2a: {  	p0 =	seq.s32 s5, $0x0;
	s5 =	sld [smem:$0x3FAE]  }
0x2b: {  	s6 =	sld [smem:$0x3FAF]  }
0x2c: {  	s7 =	sld [smem:$0x3FB0]  }
0x2d: {  	s3 =	simm.s32 $0x108;
	s8 =	sld [smem:$0x3FB1]  }
0x2e: {  	s3 =	simm.s32 @!p0 $0x1082;
	s9 =	sld [smem:$0x3FB2]  }
0x2f: {  	lr =	sadd.s32 s0, s3;
	s0 =	sld [smem:$0x3FA9]  }
0x30: {  	s3 =	sld [smem:$0x3FAC]  }
0x31: {  	[smem:$0x3FB5] =	sst s10  }
0x32: {  	s10 =	sld [smem:$0x3FB3];
	_ =	sdelay $0x3  }
0x33: {  	p0 =	seq.s32 s10, $0x1;
	s10 =	sld [smem:$0x3FB5];
	_ =	sdelay $0x3  }
0x34: {  	[smem:$0x3FB5] =	sst s10  }
0x35: {  	s10 =	sld [smem:$0x3FB4];
	_ =	sdelay $0x3  }
0x36: {  	p1 =	seq.s32 s10, $0x1;
	s10 =	sld [smem:$0x3FB5];
	_ =	sdelay $0x3  }
0x37: {  	[smem:$0x3FB5] =	sst s10  }
0x38: {  	s10 =	sld [smem:$0x3FB6]  }
0x39: {  	_ = 	snop;
	(pc) =	sbr.ind lr, $3  }
0x3a: {  	_ = 	snop  }
0x3b: {  	_ = 	snop  }
0x3c: {  	p2 =	seq.s32 s10, $0x1;
	s10 =	sld [smem:$0x3FB5]  }
0x3d: {  	_ =	shalt  }
0x3e: {  	_ =	shalt  }
0x3f: {  	_ =	shalt  }
0x40: {  	_ =	shalt  }
0x41: {  	_ =	shalt  }
0x42: {  	_ =	shalt  }
0x43: {  	_ =	shalt  }
0x44: {  	_ =	shalt  }
0x45: {  	_ =	shalt  }
0x46: {  	_ =	shalt  }
0x47: {  	_ =	shalt  }
0x48: {  	_ =	shalt  }
0x49: {  	_ =	shalt  }
0x4a: {  	_ =	shalt  }
0x4b: {  	_ =	shalt  }
0x4c: {  	_ =	shalt  }
0x4d: {  	_ =	shalt  }
0x4e: {  	_ =	shalt  }
0x4f: {  	_ =	shalt  }
0x50: {  	_ =	shalt  }
0x51: {  	_ =	shalt  }
0x52: {  	_ =	shalt  }
0x53: {  	_ =	shalt  }
0x54: {  	_ =	shalt  }
0x55: {  	_ =	shalt  }
0x56: {  	_ =	shalt  }
0x57: {  	_ =	shalt  }
0x58: {  	_ =	shalt  }
0x59: {  	_ =	shalt  }
0x5a: {  	_ =	shalt  }
0x5b: {  	_ =	shalt  }
0x5c: {  	_ =	shalt  }
0x5d: {  	_ =	shalt  }
0x5e: {  	_ =	shalt  }
0x5f: {  	_ =	shalt  }
0x60: {  	_ =	shalt  }
0x61: {  	_ =	shalt  }
0x62: {  	_ =	shalt  }
0x63: {  	_ =	shalt  }
0x64: {  	_ =	shalt  }
0x65: {  	_ =	shalt  }
0x66: {  	_ =	shalt  }
0x67: {  	_ =	shalt  }
0x68: {  	_ =	shalt  }
0x69: {  	_ =	shalt  }
0x6a: {  	_ =	shalt  }
0x6b: {  	_ =	shalt  }
0x6c: {  	_ =	shalt  }
0x6d: {  	_ =	shalt  }
0x6e: {  	_ =	shalt  }
0x6f: {  	_ =	shalt  }
0x70: {  	_ =	shalt  }
0x71: {  	_ =	shalt  }
0x72: {  	_ =	shalt  }
0x73: {  	_ =	shalt  }
0x74: {  	_ =	shalt  }
0x75: {  	_ =	shalt  }
0x76: {  	_ =	shalt  }
0x77: {  	_ =	shalt  }
0x78: {  	_ =	shalt  }
0x79: {  	_ =	shalt  }
0x7a: {  	_ =	shalt  }
0x7b: {  	_ =	shalt  }
0x7c: {  	_ =	shalt  }
0x7d: {  	_ =	shalt  }
0x7e: {  	_ =	shalt  }
0x7f: {  	_ =	shalt  }
0x80: {  	_ =	shalt  }
0x81: {  	_ =	shalt  }
0x82: {  	_ =	shalt  }
0x83: {  	_ =	shalt  }
0x84: {  	_ =	shalt  }
0x85: {  	_ =	shalt  }
0x86: {  	_ =	shalt  }
0x87: {  	_ =	shalt  }
.Lfunc_end0:
.L_simem_size_0:
called_computation_lowered:
.L_overlay_start_0:
0x88: {  	s2 =	sld [smem:$0x3FD9]  }
0x89: {  	s3 =	sld [smem:$0x3FFE];
	_ =	sdelay $0x1  }
0x8a: {  	s1 =	srdreg.scid  }
0x8b: {  	s0 =	sand.u32 $0x1, s1  }
0x8c: {  	s17 =	sshll.u32 s0, $0xA;
	s2 =	sadd.s32 s3, s2  }
0x8d: {  	s2 =	sadd.s32 s2, s17  }
0x8e: {  	[smem:$0x3FC1] =	sst s2  }
0x8f: {  	_ = 	snop  }
0x90: {  	s2 =	sld [smem:$0x3FD0];
	(tm) =	ssettm $0x1  }
0x91: {  	s18 =	sld [smem:$0x3FFB];
	_ =	sdelay $0x3  }
0x92: {  	_ =	strace s18  }
0x93: {  	s3 =	sld [smem:$0x3FFC];
	_ =	sdelay $0x3  }
0x94: {  	_ =	strace s3  }
0x95: {  	s3 =	sld [smem:$0x3FFD];
	_ =	sdelay $0x3  }
0x96: {  	_ =	strace s3  }
0x97: {  	_ =	strace $0x8FFFFFFF  }
0x98: {  	s19 =	sld [smem:$0x3FDB];
	_ =	sdelay $0x1  }
0x99: {  	s4 =	simm.s32 $_scs_section_size  }
0x9a: {  	s5 =	simm.s32 $_size__tile_overlayer_lowered;
	s6 =	simm.s32 $_tile_overlayer_lowered  }
0x9b: {  	s22 =	simm.s32 $0x1BFF;
	s21 =	sshll.u32 s6, $0x1;
	s3 =	sadd.s32 s4, s19  }
0x9c: {  	s7 =	simm.s32 $0x0;
	s20 =	sshll.u32 s5, $0x1;
	s5 =	sadd.s32 s21, s3  }
0x9d: {  	[timem:s7], [sflag:s22] =	dma.local [hbm:s5], s20  }
0x9e: {  	_ =	swait.ge [sflag:s22], s20  }
0x9f: {  	s4 =	ssub.s32 $0x0, s20;
	[sflag:s22] =	ssyncset.done $0x0  }
0xa0: {  	[sflag:s22] =	ssyncadd.s32 s4;
	_ =	sdelay $0x1  }
0xa1: {  	s23 =	simm.s32 $0x1B8B  }
0xa2: {  	_ =	swait.ge [sflag:s23], $0x1  }
0xa3: {  	[sflag:s23] =	ssyncset.done $0x0  }
0xa4: {  	s25 =	simm.s32 $0x1B8E;
	s24 =	sld [smem:$0x3FFE];
	[sflag:s23] =	ssyncadd.s32 $0xFFFFFFFF  }
0xa5: {  	s26 =	simm.s32 $execute0_lowered;
	[smem:$0x3FD2] =	sst s25  }
0xa6: {  	s5 =	sshll.u32 s26, $0x1;
	_ =	strace $0x80000046;
	[dreg:$0x1] =	wrdreg $0xFFFFFFFF  }
0xa7: {  	s28 =	simm.s32 $_size_execute0_lowered;
	s3 =	sadd.s32 s3, s5;
	[dreg:$0x0] =	wrdreg $0x0  }
0xa8: {  	s5 =	sshll.u32 s28, $0x1;
	[dreg:$0x2] =	wrdreg s3  }
0xa9: {  	[dreg:$0x3] =	wrdreg s5  }
0xaa: {  	[dreg:$0x4] =	wrdreg $0xC0  }
0xab: {  	_ =	task [dreg:s7], $0x5FFFF  }
0xac: {  	[dreg:$0x1] =	wrdreg $0xFFFFFFFF  }
0xad: {  	[dreg:$0x0] =	wrdreg $0x60  }
0xae: {  	[dreg:$0x2] =	wrdreg s2  }
0xaf: {  	[dreg:$0x3] =	wrdreg s24  }
0xb0: {  	[dreg:$0x4] =	wrdreg $0x9  }
0xb1: {  	_ =	task.clear_ibuf [dreg:s7], $0x5FFFF;
	_ =	strace $0x90000046  }
0xb2: {  	s29 =	simm.s32 $0x9;
	_ =	strace $0x80000048  }
0xb3: {  	_ =	swait.ge [sflag:s29], $0x1  }
0xb4: {  	[sflag:s29] =	ssyncadd.s32 $0xFFFFFFFF  }
0xb5: {  	_ =	strace $0x90000048  }
0xb6: {  	_ =	sfence  }
0xb7: {  	s30 =	sld [smem:$0x0];
	_ =	sdelay $0x2  }
0xb8: {  	s31 =	sshll.u32 s1, $0xD;
	s1 =	sshrl.u32 s1, $0x2  }
0xb9: {  	s3 =	sand.u32 $0x4000, s31;
	s1 =	sadd.s32 s1, s30  }
0xba: {  	s0 =	sor.u32 s3, s0;
	s1 =	sshll.u32 s1, $0x11  }
0xbb: {  	s0 =	sor.u32 s1, s0  }
0xbc: {  	s0 =	sadd.s32 $0x8F2B, s0  }
0xbd: {  	[sflag:s0] =	ssyncadd.remote.s32 $0x1  }
0xbe: {  	_ =	sfence.sel $0xFFFF  }
0xbf: {  	[dreg:$0x0] =	wrdreg $0xFFFFFFFF;
	(pc) =	sbr.abs _section_cstart, $3  }
0xc0: {  	[dreg:$0x1] =	wrdreg $0xFFFFFFFF  }
0xc1: {  	_ =	task.clear_ibuf [dreg:s7], $0x2FFFF;
	_ =	strace $0x9FFFFFFF  }
0xc2: {  	(tm) =	ssettm $0x7FFFFFFF  }
0xc3: {  	_ =	shalt  }
tec
execute0_lowered:
.L_overlay_start_1:
0x0: {  	(tag) =	ssettag $0x1  }
0x1: {  	s1 =	rddreg [dreg:$0x0]  }
0x2: {  	s5 =	rddreg [dreg:$0x1];
	s2 =	srdreg.scid  }
0x3: {  	s0 =	rddreg [dreg:$0x2];
	s3 =	simm.s32 $0x0;
	s10 =	simm.s32 $0x100  }
0x4: {  	s11 =	simm.s32 $0x1;
	s12 =	simm.s32 $0x2;
	s13 =	simm.s32 $0x0  }
0x5: {  	s6 =	sand.u32 $0x1, s2;
	[smem:$0x7FF] =	sst s3;
	s2 =	stileid.u32  }
0x6: {  	s4 =	sadd.s32 $0x7600, s5;
	s5 =	sadd.s32 $0x600, s5;
	s7 =	ssub.s32 $0x2, s6  }
0x7: {  	_ =	strace $0x80000047;
	s9 =	sshll.u32 s2, $0x1;
	s8 =	sshrl.u32 s7, $0x1  }
0x8: {  	s6 =	sor.u32 s6, s9;
	s9 =	simm.s32 $0x80;
	s7 =	ssub.s32 s7, s8  }
0x9: {  	s6 =	smul.u32 $0x1C00, s6;
	s8 =	simm.s32 $0x3;
	s7 =	smax.u32 s7, $0x1  }
.LBB2_1:
0xa: {  	s14 =	sand.u32 $0x1C00, s3  }
0xb: {  	s15 =	sand.u32 $0x380, s3;
	s14 =	sadd.s32 s6, s14  }
0xc: {  	s14 =	sor.u32 s15, s14  }
0xd: {  	s14 =	sshrl.u32 s14, $0x3  }
0xe: {  	s31 =	sadd.s32 s4, s14  }
0xf: {  	[tilespmem:s3], [sflag:$0x3] =	stream.linear.gather [hbm4b:s31+s3], $0x80, $0x38;
	[tilespmem:$0x180] =	vst v63  }
0x10: {  	_ =	swait.ge [sflag:s8], $0x80  }
0x11: {  	[sflag:s8] =	ssyncset.done $0x0  }
0x12: {  	s14 =	sadd.s32 s5, s14;
	[sflag:s8] =	ssyncadd.s32 $0xFFFFFF80  }
0x13: {  	[tilespmem:s9], [sflag:$0x3] =	stream.linear.gather [hbm4b:s14+s3], $0x80, $0x38;
	[tilespmem:$0x180] =	vst v63  }
0x14: {  	_ =	swait.ge [sflag:s8], $0x80  }
0x15: {  	[sflag:s8] =	ssyncset.done $0x0  }
0x16: {  	[sflag:s8] =	ssyncadd.s32 $0xFFFFFF80;
	(ifvalue) =	ssetifvalue $0xFFFFFFFF  }
0x17: {  	(ifvalue) =	ssetifvalue $0xFFFFFFFF  }
0x18: {  	[tilespmem:s10], [sflag:$0x1] =	stream.indirect.gather [hbm4b:s1+s9], $0x1, s3, s9, $0x40b8;
	[tilespmem:$0x180] =	vst v63  }
0x19: {  	_ =	swait.ge [sflag:s11], $0x80  }
0x1a: {  	[sflag:s11] =	ssyncset.done $0x0  }
0x1b: {  	[sflag:s11] =	ssyncadd.s32 $0xFFFFFF80  }
0x1c: {  	v2 =	vld [tilespmem:$0xF0]  }
0x1d: {  	v0 =	vld [tilespmem:$0x120]  }
0x1e: {  	v1 =	vld [tilespmem:$0xA0]  }
0x1f: {  	v3 =	vld [tilespmem:$0x170]  }
0x20: {  	s14 =	simm.s32 $0x80;
	v4 =	vld [tilespmem:$0xD0]  }
.LBB2_2:
0x21: {  	p0 =	sne.s32 s14, $0x1880;
	v5 =	vld [tilespmem:$0x150];
	s15 =	smov.u32 s14;
	s14 =	sadd.s32 $0x80, s14  }
0x22: {  	v6 =	vld [tilespmem:$0xC0]  }
0x23: {  	v7 =	vld [tilespmem:$0xE0]  }
0x24: {  	v8 =	vld [tilespmem:$0x140]  }
0x25: {  	v9 =	vld [tilespmem:$0x100]  }
0x26: {  	v10 =	vld [tilespmem:$0xB0];
	v4 =	vadd.f32 v4, v5  }
0x27: {  	v5 =	vld [tilespmem:$0x90]  }
0x28: {  	v2 =	vadd.f32 v2, v3;
	v11 =	vld [tilespmem:$0x130];
	[tilespmem:$0x150] =	vst v4  }
0x29: {  	v3 =	vadd.f32 v6, v8;
	v4 =	vld [tilespmem:$0x160]  }
0x2a: {  	v0 =	vadd.f32 v1, v0;
	v6 =	vld [tilespmem:$0x80]  }
0x2b: {  	s16 =	sand.u32 $0x1C00, s15;
	v1 =	vld [tilespmem:$0x110];
	[tilespmem:$0x140] =	vst v3  }
0x2c: {  	s15 =	sand.u32 $0x380, s15;
	s16 =	sadd.s32 s6, s16;
	[tilespmem:$0x170] =	vst v2  }
0x2d: {  	s15 =	sor.u32 s15, s16;
	[tilespmem:$0x120] =	vst v0;
	v0 =	vadd.f32 v10, v11  }
0x2e: {  	s15 =	sshrl.u32 s15, $0x3;
	v2 =	vadd.f32 v7, v4  }
0x2f: {  	v3 =	vadd.f32 v6, v9;
	[tilespmem:$0x130] =	vst v0  }
0x30: {  	v0 =	vadd.f32 v5, v1;
	[tilespmem:$0x160] =	vst v2  }
0x31: {  	[tilespmem:$0x100] =	vst v3  }
0x32: {  	[tilespmem:$0x110] =	vst v0  }
0x33: {  	(ifvalue) =	ssetifvalue $0xFFFFFFFF  }
0x34: {  	(ifvalue) =	ssetifvalue $0xFFFFFFFF  }
0x35: {  	[hbm4b:s1+s9] =	stream.indirect.scatter [tilespmem:s10], [sflag:$0x2], $0x1, s3, s9, $0x40b8;
	[tilespmem:$0x180] =	vst v63  }
0x36: {  	s16 =	sadd.s32 s4, s15;
	_ =	swait.ge [sflag:s12], $0x80  }
0x37: {  	[sflag:s12] =	ssyncset.done $0x0  }
0x38: {  	[sflag:s12] =	ssyncadd.s32 $0xFFFFFF80  }
0x39: {  	[tilespmem:s3], [sflag:$0x3] =	stream.linear.gather [hbm4b:s16+s3], $0x80, $0x38;
	[tilespmem:$0x180] =	vst v63  }
0x3a: {  	s15 =	sadd.s32 s5, s15;
	_ =	swait.ge [sflag:s8], $0x80  }
0x3b: {  	[sflag:s8] =	ssyncset.done $0x0  }
0x3c: {  	[sflag:s8] =	ssyncadd.s32 $0xFFFFFF80  }
0x3d: {  	[tilespmem:s9], [sflag:$0x3] =	stream.linear.gather [hbm4b:s15+s3], $0x80, $0x38;
	[tilespmem:$0x180] =	vst v63  }
0x3e: {  	_ =	swait.ge [sflag:s8], $0x80  }
0x3f: {  	[sflag:s8] =	ssyncset.done $0x0  }
0x40: {  	[sflag:s8] =	ssyncadd.s32 $0xFFFFFF80  }
0x41: {  	(ifvalue) =	ssetifvalue $0xFFFFFFFF  }
0x42: {  	(ifvalue) =	ssetifvalue $0xFFFFFFFF  }
0x43: {  	[tilespmem:s10], [sflag:$0x1] =	stream.indirect.gather [hbm4b:s1+s9], $0x1, s3, s9, $0x40b8;
	[tilespmem:$0x180] =	vst v63  }
0x44: {  	_ =	swait.ge [sflag:s11], $0x80  }
0x45: {  	[sflag:s11] =	ssyncset.done $0x0  }
0x46: {  	[sflag:s11] =	ssyncadd.s32 $0xFFFFFF80  }
.Ltmp0:
0x47: {  	v2 =	vld [tilespmem:$0xF0];
	(pc) =	sbr.rel @p0 .LBB2_2-.Ltmp0, $4  }
0x48: {  	v0 =	vld [tilespmem:$0x120]  }
0x49: {  	v1 =	vld [tilespmem:$0xA0]  }
0x4a: {  	v3 =	vld [tilespmem:$0x170]  }
0x4b: {  	v4 =	vld [tilespmem:$0xD0]  }
0x4c: {  	v5 =	vld [tilespmem:$0x150]  }
0x4d: {  	v6 =	vld [tilespmem:$0xC0]  }
0x4e: {  	v7 =	vld [tilespmem:$0xE0]  }
0x4f: {  	v8 =	vld [tilespmem:$0x140]  }
0x50: {  	v9 =	vld [tilespmem:$0x100]  }
0x51: {  	v10 =	vld [tilespmem:$0xB0]  }
0x52: {  	v11 =	vld [tilespmem:$0x90]  }
0x53: {  	v12 =	vld [tilespmem:$0x130]  }
0x54: {  	v57 =	vld [tilespmem:$0x160];
	v0 =	vadd.f32 v1, v0  }
0x55: {  	v58 =	vld [tilespmem:$0x80];
	v2 =	vadd.f32 v2, v3  }
0x56: {  	v59 =	vld [tilespmem:$0x110];
	[tilespmem:$0x120] =	vst v0;
	v4 =	vadd.f32 v4, v5  }
0x57: {  	v6 =	vadd.f32 v6, v8;
	[tilespmem:$0x170] =	vst v2  }
0x58: {  	v60 =	vadd.f32 v10, v12;
	[tilespmem:$0x150] =	vst v4  }
0x59: {  	v61 =	vadd.f32 v7, v57;
	[tilespmem:$0x140] =	vst v6  }
0x5a: {  	v62 =	vadd.f32 v58, v9;
	[tilespmem:$0x130] =	vst v60  }
0x5b: {  	v63 =	vadd.f32 v11, v59;
	[tilespmem:$0x160] =	vst v61  }
0x5c: {  	s13 =	sadd.s32 $0x1, s13;
	[tilespmem:$0x100] =	vst v62  }
0x5d: {  	p0 =	sne.s32 s13, s7;
	[tilespmem:$0x110] =	vst v63;
	(ifvalue) =	ssetifvalue $0xFFFFFFFF  }
.Ltmp1:
0x5e: {  	(ifvalue) =	ssetifvalue $0xFFFFFFFF;
	(pc) =	sbr.rel @p0 .LBB2_1-.Ltmp1, $4  }
0x5f: {  	[hbm4b:s1+s9] =	stream.indirect.scatter [tilespmem:s10], [sflag:$0x2], $0x1, s3, s9, $0x40b8;
	[tilespmem:$0x180] =	vst v63  }
0x60: {  	_ =	swait.ge [sflag:s12], $0x80  }
0x61: {  	[sflag:s12] =	ssyncset.done $0x0  }
0x62: {  	[sflag:s12] =	ssyncadd.s32 $0xFFFFFF80  }
0x63: {  	_ =	sfence.sel $0x180000  }
0x64: {  	[bflag:$0x0] =	sbarrier.arrive $0xFFFF  }
0x65: {  	p0 =	sne.s32 s2, $0x0;
	_ =	strace $0x90000047  }
0x66: {  	s0 =	sadd.s32 @!p0 $0x100000, s0;
	[bflag:$0x2] =	sbarrier.arrive $0xFFFF  }
0x67: {  	[sflag:s0] =	ssyncadd.tile.s32 @!p0 $0x1;
	_ =	shalt  }
.Lfunc_end2:
_tile_overlayer_lowered:
.L_overlay_start_2:
0x68: {  	(tag) =	ssettag $0x2  }
0x69: {  	s0 =	rddreg [dreg:$0x0];
	s2 =	stileid.u32  }
0x6a: {  	s1 =	rddreg [dreg:$0x1];
	p0 =	sne.s32 s2, $0x0  }
0x6b: {  	s3 =	rddreg [dreg:$0x2];
	[bflag:$0x3] =	sbarrier.arrive $0xFFFF;
	s2 =	simm.s32 @!p0 $0x1C03  }
0x6c: {  	[timem:s3], [sflag:s2] =	dma.local @!p0 [hbm:s0], s1  }
0x6d: {  	s0 =	simm.s32 @!p0 $0x3  }
0x6e: {  	_ =	swait.ge @!p0 [sflag:s0], s1  }
0x6f: {  	s1 =	ssub.s32 @!p0 $0x0, s1;
	[sflag:s0] =	ssyncset.done @!p0 $0x0  }
0x70: {  	[sflag:s0] =	ssyncadd.s32 @!p0 s1  }
0x71: {  	[bflag:$0x3] =	sbarrier.arrive $0xFFFF  }
0x72: {  	_ =	shalt  }

</sc_bundles>
